<compile_context>
chip_gen: v7x
topology: tpu7x:2x2x1
jax: 0.10.2.dev20260603
libtpu: 0.0.44.dev20260713+nightly
codegen_flags: <defaults>
</compile_context>

<pallas_src>
import functools
import math

import jax
import jax.numpy as jnp
from jax import lax
from jax.experimental import pallas as pl
from jax.experimental.pallas import tpu as pltpu
from jax.experimental.pallas import tpu_sc as plsc

HEADS = 16
NUM_BUCKETS = 32
MAX_DISTANCE = 128
QLEN = 2048
KLEN = 2048
TW = 4096
SUB = 8
GROUP = 128
LANES = 16
HALF_T = TW // 2

_HALF = NUM_BUCKETS // 2
_MAX_EXACT = _HALF // 2
_THRESH = [
    math.ceil(_MAX_EXACT * (MAX_DISTANCE / _MAX_EXACT) ** (k / (_HALF - _MAX_EXACT)))
    for k in range(1, _HALF - _MAX_EXACT)
]


def _bucket_values(na):
    val_large = jnp.full_like(na, _MAX_EXACT)
    for thresh in _THRESH:
        val_large = val_large + jnp.where(
            na >= jnp.full_like(na, thresh),
            jnp.full_like(na, 1),
            jnp.full_like(na, 0),
        )
    return val_large


def _sc_table_kernel(emb_hbm, off_hbm, out_hbm, emb_v, off_v, row_v):
    wid = lax.axis_index("s") * 2 + lax.axis_index("c")
    h = wid // 2
    half = wid % 2
    pltpu.sync_copy(emb_hbm, emb_v)
    pltpu.sync_copy(off_hbm, off_v)
    def body(it, _):
        offset = off_v[...]
        iota = jax.lax.broadcasted_iota(jnp.int32, (LANES,), 0)
        h_vec = jnp.full((LANES,), h, jnp.int32)
        base = half * HALF_T - (QLEN - 1) + it * LANES
        n = -(iota + jnp.full((LANES,), base, jnp.int32) - offset)
        zero = jnp.zeros((LANES,), jnp.int32)
        ret = jnp.where(n < zero, jnp.full_like(n, _HALF), zero)
        na = jnp.abs(n)
        bucket = ret + jnp.where(
            na < jnp.full_like(na, _MAX_EXACT), na, _bucket_values(na)
        )
        idx = bucket * jnp.full_like(bucket, HEADS) + h_vec
        row_v[pl.ds(it * LANES, LANES)] = plsc.load_gather(emb_v, [idx])
        return 0

    lax.fori_loop(0, HALF_T // LANES, body, 0)
    pltpu.sync_copy(row_v, out_hbm.at[h * 2 + half])


_sc_table = functools.partial(
    pl.kernel,
    mesh=plsc.VectorSubcoreMesh(core_axis_name="c", subcore_axis_name="s"),
    compiler_params=pltpu.CompilerParams(needs_layout_passes=False),
    out_type=jax.ShapeDtypeStruct((2 * HEADS, HALF_T), jnp.float32),
    scratch_types=[
        pltpu.VMEM((NUM_BUCKETS * HEADS,), jnp.float32),
        pltpu.VMEM((LANES,), jnp.int32),
        pltpu.VMEM((HALF_T,), jnp.float32),
    ],
)(_sc_table_kernel)


def _tc_expand_kernel(vtab_ref, out_ref, vs_ref):
    V = vtab_ref[0]
    si = jax.lax.broadcasted_iota(jnp.int32, (SUB, TW), 0)
    shifts = (SUB - 1) - si
    Vs8 = jnp.broadcast_to(V, (SUB, TW))
    bit = 1
    while bit < SUB:
        rolled = pltpu.roll(Vs8, TW - bit, 1)
        Vs8 = jnp.where((shifts & bit) != 0, rolled, Vs8)
        bit *= 2

    for a in range(GROUP // SUB):
        shift = SUB * (GROUP // SUB - 1 - a)
        vs_ref[SUB * a : SUB * (a + 1), :] = pltpu.roll(Vs8, (TW - shift) % TW, 1)

    for g in range(QLEN // GROUP):
        s = (QLEN - 1) - (GROUP - 1) - GROUP * g
        out_ref[0, GROUP * g : GROUP * (g + 1), :] = vs_ref[:, s : s + KLEN]


def kernel(qlen, klen, emb):
    offset = (jnp.asarray(klen) - jnp.asarray(qlen)).astype(jnp.int32)
    off_arr = jnp.full((LANES,), 0, jnp.int32) + offset

    vtab = _sc_table(emb.reshape(-1), off_arr)
    vtab3 = vtab.reshape(HEADS, 1, TW)

    out = pl.pallas_call(
        _tc_expand_kernel,
        grid=(HEADS,),
        in_specs=[pl.BlockSpec((1, 1, TW), lambda h: (h, 0, 0))],
        out_specs=pl.BlockSpec((1, QLEN, KLEN), lambda h: (h, 0, 0)),
        out_shape=jax.ShapeDtypeStruct((HEADS, QLEN, KLEN), jnp.float32),
        scratch_shapes=[pltpu.VMEM((GROUP, TW), jnp.float32)],
    )(vtab3)
    return out

# --- scband reference (transcript-rebuilt; emitter-appended) ---
"""Pipeline reference for scband-t5-relative-position-bias-11201274708509 (READ-ONLY COPY).

The authoritative reference and input builder live on the scoring server;
editing this copy changes nothing except your own understanding.
"""

import jax, jax.numpy as jnp
import numpy as np
import math

HEADS = 16
SCALE = 1.0
CAUSAL = False
NUM_BUCKETS = 32
MAX_DISTANCE = 128

QLEN_STATIC = 2048
KLEN_STATIC = 2048


def setup_inputs(seed: int = 0) -> dict:
    key = jax.random.key(seed)
    emb = jax.random.normal(key, (NUM_BUCKETS, HEADS), dtype=jnp.float32) * 0.02
    return {"qlen": 2048, "klen": 2048, "emb": emb}


def _relative_position_bucket(relative_position, causal, num_buckets, max_distance):
    ret = jnp.zeros_like(relative_position)
    n = -relative_position
    if not causal:
        num_buckets = num_buckets // 2
        ret = ret + (n < 0).astype(relative_position.dtype) * num_buckets
        n = jnp.abs(n)
    else:
        n = jnp.maximum(n, jnp.zeros_like(n))
    max_exact = num_buckets // 2
    is_small = n < max_exact
    n_safe = jnp.maximum(n, 1)  # avoid log(0); masked out by is_small
    val_if_large = max_exact + (
        jnp.log(n_safe.astype(jnp.float32) / max_exact)
        / math.log(max_distance / max_exact)
        * (num_buckets - max_exact)
    ).astype(relative_position.dtype)
    val_if_large = jnp.minimum(val_if_large, jnp.full_like(val_if_large, num_buckets - 1))
    ret = ret + jnp.where(is_small, n, val_if_large)
    return ret


def reference(qlen, klen, emb):
    offset = (jnp.asarray(klen) - jnp.asarray(qlen)).astype(jnp.int32)
    q_pos = jnp.arange(QLEN_STATIC, dtype=jnp.int32) + offset
    k_pos = jnp.arange(KLEN_STATIC, dtype=jnp.int32)
    # einx.subtract('j, i -> i j', k_pos, q_pos): rel_pos[i, j] = k_pos[j] - q_pos[i]
    rel_pos = k_pos[None, :] - q_pos[:, None]
    rp_bucket = _relative_position_bucket(rel_pos, causal=CAUSAL, num_buckets=NUM_BUCKETS, max_distance=MAX_DISTANCE)
    values = jnp.take(emb, rp_bucket, axis=0)  # [i, j, h]
    bias = jnp.transpose(values, (2, 0, 1))     # [h, i, j]
    return bias * SCALE

if __name__ == "__main__":
    import jax
    _d = setup_inputs()
    print(jax.jit(kernel)(*tuple(_d.values())))

</pallas_src>

<mosaic_0001>
#map = affine_map<(d0, d1) -> (0)>
#map1 = affine_map<(d0, d1) -> (0, 0)>
module attributes {stable_mosaic.version = 14 : i64} {
  func.func @_sc_table_kernel(%arg0: i32, %arg1: i32, %arg2: memref<512xf32, #tpu.memory_space<hbm>>, %arg3: memref<16xi32, #tpu.memory_space<hbm>>, %arg4: memref<32x2048xf32, #tpu.memory_space<hbm>>, %arg5: memref<512xf32, #tpu.memory_space<vmem>>, %arg6: memref<16xi32, #tpu.memory_space<vmem>>, %arg7: memref<2048xf32, #tpu.memory_space<vmem>>) attributes {dimension_semantics = [#tpu.dimension_semantics<core_parallel>, #tpu.dimension_semantics<subcore_parallel>], iteration_bounds = array<i64: 2, 16>, scalar_prefetch = 0 : i64, scratch_operands = 3 : i64, tpu.core_type = #tpu.core_type<sc_vector_subcore>, window_params = [{transform_indices = #map}, {transform_indices = #map}, {transform_indices = #map1}]} {
    %mul3A = arith.constant 2 : i32
    %mul3A_0 = arith.muli %arg1, %mul3A : i32
    %add3A = arith.addi %mul3A_0, %arg0 : i32
    %jit3A = arith.constant 2 : i32
    %div3A = arith.divsi %add3A, %jit3A : i32
    %sign3A = arith.constant 0 : i32
    %sign3A_1 = arith.cmpi sgt, %add3A, %sign3A : i32
    %sign3A_2 = arith.extui %sign3A_1 : i1 to i32
    %sign3A_3 = arith.constant 0 : i32
    %sign3A_4 = arith.cmpi slt, %add3A, %sign3A_3 : i32
    %sign3A_5 = arith.extui %sign3A_4 : i1 to i32
    %sign3A_6 = arith.subi %sign3A_2, %sign3A_5 : i32
    %sign3A_7 = arith.constant 0 : i32
    %sign3A_8 = arith.cmpi sgt, %jit3A, %sign3A_7 : i32
    %sign3A_9 = arith.extui %sign3A_8 : i1 to i32
    %sign3A_10 = arith.constant 0 : i32
    %sign3A_11 = arith.cmpi slt, %jit3A, %sign3A_10 : i32
    %sign3A_12 = arith.extui %sign3A_11 : i1 to i32
    %sign3A_13 = arith.subi %sign3A_9, %sign3A_12 : i32
    %ne3A = arith.cmpi ne, %sign3A_6, %sign3A_13 : i32
    %rem3A = arith.remsi %add3A, %jit3A : i32
    %ne3A_14 = arith.constant 0 : i32
    %ne3A_15 = arith.cmpi ne, %rem3A, %ne3A_14 : i32
    %and3A = arith.andi %ne3A, %ne3A_15 : i1
    %sub3A = arith.constant 1 : i32
    %sub3A_16 = arith.subi %div3A, %sub3A : i32
    %select_n3A = arith.select %and3A, %sub3A_16, %div3A : i32
    %jit3A_17 = arith.constant 2 : i32
    %eq3A = arith.constant 0 : i32
    %eq3A_18 = arith.cmpi eq, %jit3A_17, %eq3A : i32
    %jit3A_19 = arith.constant 1 : i32
    %select_n3A_20 = arith.select %eq3A_18, %jit3A_19, %jit3A_17 : i32
    %rem3A_21 = arith.remsi %add3A, %select_n3A_20 : i32
    %ne3A_22 = arith.constant 0 : i32
    %ne3A_23 = arith.cmpi ne, %rem3A_21, %ne3A_22 : i32
    %lt3A = arith.constant 0 : i32
    %lt3A_24 = arith.cmpi slt, %rem3A_21, %lt3A : i32
    %lt3A_25 = arith.constant 0 : i32
    %lt3A_26 = arith.cmpi slt, %select_n3A_20, %lt3A_25 : i32
    %ne3A_27 = arith.xori %lt3A_24, %lt3A_26 : i1
    %and3A_28 = arith.andi %ne3A_27, %ne3A_23 : i1
    %add3A_29 = arith.addi %rem3A_21, %select_n3A_20 : i32
    %select_n3A_30 = arith.select %and3A_28, %add3A_29, %rem3A_21 : i32
    "tpu.region"() ({
      %run_scoped3A = tpu.sem_alloc : memref<!tpu.dma_semaphore, #tpu.memory_space<semaphore_mem>>
      tpu.enqueue_dma source(%arg2 : memref<512xf32, #tpu.memory_space<hbm>>) target(%arg5 : memref<512xf32, #tpu.memory_space<vmem>>) target_semaphore(%run_scoped3A : memref<!tpu.dma_semaphore, #tpu.memory_space<semaphore_mem>>)
      tpu.wait_dma2 semaphore(%run_scoped3A : memref<!tpu.dma_semaphore, #tpu.memory_space<semaphore_mem>>) src(%arg2 : memref<512xf32, #tpu.memory_space<hbm>>) dst(%arg5 : memref<512xf32, #tpu.memory_space<vmem>>)
      tpu.yield
    }) : () -> ()
    "tpu.region"() ({
      %run_scoped3A = tpu.sem_alloc : memref<!tpu.dma_semaphore, #tpu.memory_space<semaphore_mem>>
      tpu.enqueue_dma source(%arg3 : memref<16xi32, #tpu.memory_space<hbm>>) target(%arg6 : memref<16xi32, #tpu.memory_space<vmem>>) target_semaphore(%run_scoped3A : memref<!tpu.dma_semaphore, #tpu.memory_space<semaphore_mem>>)
      tpu.wait_dma2 semaphore(%run_scoped3A : memref<!tpu.dma_semaphore, #tpu.memory_space<semaphore_mem>>) src(%arg3 : memref<16xi32, #tpu.memory_space<hbm>>) dst(%arg6 : memref<16xi32, #tpu.memory_space<vmem>>)
      tpu.yield
    }) : () -> ()
    %scan3A = arith.constant 0 : i32
    %scan3A_31 = arith.constant 0 : i32
    %scan3A_32 = arith.constant 128 : i32
    %scan3A_33 = arith.addi %scan3A_31, %scan3A_32 : i32
    %scan3A_34 = arith.constant 1 : i32
    %scan3A_35 = scf.for %scan3A_40 = %scan3A_31 to %scan3A_33 step %scan3A_34 iter_args(%scan3A_41 = %scan3A) -> (i32)  : i32 {
      %get3A = arith.constant 0 : index
      %get3A_42 = tpu.vector_load %arg6[%get3A] {strides = array<i32>} : memref<16xi32, #tpu.memory_space<vmem>>, vector<16xi32>,
      %iota3A = tpu.iota {dimensions = array<i32: 0>} : vector<16xi32>
      %broadcast_in_dim3A = vector.broadcast %select_n3A : i32 to vector<16xi32>
      %mul3A_43 = arith.constant 2048 : i32
      %mul3A_44 = arith.muli %select_n3A_30, %mul3A_43 : i32
      %sub3A_45 = arith.constant 2047 : i32
      %sub3A_46 = arith.subi %mul3A_44, %sub3A_45 : i32
      %mul3A_47 = arith.constant 16 : i32
      %mul3A_48 = arith.muli %scan3A_40, %mul3A_47 : i32
      %add3A_49 = arith.addi %sub3A_46, %mul3A_48 : i32
      %broadcast_in_dim3A_50 = vector.broadcast %add3A_49 : i32 to vector<16xi32>
      %add3A_51 = arith.addi %iota3A, %broadcast_in_dim3A_50 : vector<16xi32>
      %sub3A_52 = arith.subi %add3A_51, %get3A_42 : vector<16xi32>
      %neg3A = arith.constant 0 : i32
      %neg3A_53 = vector.broadcast %neg3A : i32 to vector<16xi32>
      %neg3A_54 = arith.subi %neg3A_53, %sub3A_52 : vector<16xi32>
      %broadcast_in_dim3A_55 = arith.constant 0 : i32
      %broadcast_in_dim3A_56 = vector.broadcast %broadcast_in_dim3A_55 : i32 to vector<16xi32>
      %lt3A_57 = arith.cmpi slt, %neg3A_54, %broadcast_in_dim3A_56 : vector<16xi32>
      %broadcast_in_dim3A_58 = arith.constant 16 : i32
      %broadcast_in_dim3A_59 = vector.broadcast %broadcast_in_dim3A_58 : i32 to vector<16xi32>
      %select_n3A_60 = arith.select %lt3A_57, %broadcast_in_dim3A_59, %broadcast_in_dim3A_56 : vector<16xi1>, vector<16xi32>
      %abs3A = math.absi %neg3A_54 : vector<16xi32>
      %broadcast_in_dim3A_61 = arith.constant 8 : i32
      %broadcast_in_dim3A_62 = vector.broadcast %broadcast_in_dim3A_61 : i32 to vector<16xi32>
      %lt3A_63 = arith.cmpi slt, %abs3A, %broadcast_in_dim3A_62 : vector<16xi32>
      %broadcast_in_dim3A_64 = arith.constant 8 : i32
      %broadcast_in_dim3A_65 = vector.broadcast %broadcast_in_dim3A_64 : i32 to vector<16xi32>
      %broadcast_in_dim3A_66 = arith.constant 12 : i32
      %broadcast_in_dim3A_67 = vector.broadcast %broadcast_in_dim3A_66 : i32 to vector<16xi32>
      %ge3A = arith.cmpi sge, %abs3A, %broadcast_in_dim3A_67 : vector<16xi32>
      %broadcast_in_dim3A_68 = arith.constant 1 : i32
      %broadcast_in_dim3A_69 = vector.broadcast %broadcast_in_dim3A_68 : i32 to vector<16xi32>
      %broadcast_in_dim3A_70 = arith.constant 0 : i32
      %broadcast_in_dim3A_71 = vector.broadcast %broadcast_in_dim3A_70 : i32 to vector<16xi32>
      %select_n3A_72 = arith.select %ge3A, %broadcast_in_dim3A_69, %broadcast_in_dim3A_71 : vector<16xi1>, vector<16xi32>
      %add3A_73 = arith.addi %broadcast_in_dim3A_65, %select_n3A_72 : vector<16xi32>
      %broadcast_in_dim3A_74 = arith.constant 16 : i32
      %broadcast_in_dim3A_75 = vector.broadcast %broadcast_in_dim3A_74 : i32 to vector<16xi32>
      %ge3A_76 = arith.cmpi sge, %abs3A, %broadcast_in_dim3A_75 : vector<16xi32>
      %broadcast_in_dim3A_77 = arith.constant 1 : i32
      %broadcast_in_dim3A_78 = vector.broadcast %broadcast_in_dim3A_77 : i32 to vector<16xi32>
      %broadcast_in_dim3A_79 = arith.constant 0 : i32
      %broadcast_in_dim3A_80 = vector.broadcast %broadcast_in_dim3A_79 : i32 to vector<16xi32>
      %select_n3A_81 = arith.select %ge3A_76, %broadcast_in_dim3A_78, %broadcast_in_dim3A_80 : vector<16xi1>, vector<16xi32>
      %add3A_82 = arith.addi %add3A_73, %select_n3A_81 : vector<16xi32>
      %broadcast_in_dim3A_83 = arith.constant 23 : i32
      %broadcast_in_dim3A_84 = vector.broadcast %broadcast_in_dim3A_83 : i32 to vector<16xi32>
      %ge3A_85 = arith.cmpi sge, %abs3A, %broadcast_in_dim3A_84 : vector<16xi32>
      %broadcast_in_dim3A_86 = arith.constant 1 : i32
      %broadcast_in_dim3A_87 = vector.broadcast %broadcast_in_dim3A_86 : i32 to vector<16xi32>
      %broadcast_in_dim3A_88 = arith.constant 0 : i32
      %broadcast_in_dim3A_89 = vector.broadcast %broadcast_in_dim3A_88 : i32 to vector<16xi32>
      %select_n3A_90 = arith.select %ge3A_85, %broadcast_in_dim3A_87, %broadcast_in_dim3A_89 : vector<16xi1>, vector<16xi32>
      %add3A_91 = arith.addi %add3A_82, %select_n3A_90 : vector<16xi32>
      %broadcast_in_dim3A_92 = arith.constant 32 : i32
      %broadcast_in_dim3A_93 = vector.broadcast %broadcast_in_dim3A_92 : i32 to vector<16xi32>
      %ge3A_94 = arith.cmpi sge, %abs3A, %broadcast_in_dim3A_93 : vector<16xi32>
      %broadcast_in_dim3A_95 = arith.constant 1 : i32
      %broadcast_in_dim3A_96 = vector.broadcast %broadcast_in_dim3A_95 : i32 to vector<16xi32>
      %broadcast_in_dim3A_97 = arith.constant 0 : i32
      %broadcast_in_dim3A_98 = vector.broadcast %broadcast_in_dim3A_97 : i32 to vector<16xi32>
      %select_n3A_99 = arith.select %ge3A_94, %broadcast_in_dim3A_96, %broadcast_in_dim3A_98 : vector<16xi1>, vector<16xi32>
      %add3A_100 = arith.addi %add3A_91, %select_n3A_99 : vector<16xi32>
      %broadcast_in_dim3A_101 = arith.constant 46 : i32
      %broadcast_in_dim3A_102 = vector.broadcast %broadcast_in_dim3A_101 : i32 to vector<16xi32>
      %ge3A_103 = arith.cmpi sge, %abs3A, %broadcast_in_dim3A_102 : vector<16xi32>
      %broadcast_in_dim3A_104 = arith.constant 1 : i32
      %broadcast_in_dim3A_105 = vector.broadcast %broadcast_in_dim3A_104 : i32 to vector<16xi32>
      %broadcast_in_dim3A_106 = arith.constant 0 : i32
      %broadcast_in_dim3A_107 = vector.broadcast %broadcast_in_dim3A_106 : i32 to vector<16xi32>
      %select_n3A_108 = arith.select %ge3A_103, %broadcast_in_dim3A_105, %broadcast_in_dim3A_107 : vector<16xi1>, vector<16xi32>
      %add3A_109 = arith.addi %add3A_100, %select_n3A_108 : vector<16xi32>
      %broadcast_in_dim3A_110 = arith.constant 64 : i32
      %broadcast_in_dim3A_111 = vector.broadcast %broadcast_in_dim3A_110 : i32 to vector<16xi32>
      %ge3A_112 = arith.cmpi sge, %abs3A, %broadcast_in_dim3A_111 : vector<16xi32>
      %broadcast_in_dim3A_113 = arith.constant 1 : i32
      %broadcast_in_dim3A_114 = vector.broadcast %broadcast_in_dim3A_113 : i32 to vector<16xi32>
      %broadcast_in_dim3A_115 = arith.constant 0 : i32
      %broadcast_in_dim3A_116 = vector.broadcast %broadcast_in_dim3A_115 : i32 to vector<16xi32>
      %select_n3A_117 = arith.select %ge3A_112, %broadcast_in_dim3A_114, %broadcast_in_dim3A_116 : vector<16xi1>, vector<16xi32>
      %add3A_118 = arith.addi %add3A_109, %select_n3A_117 : vector<16xi32>
      %broadcast_in_dim3A_119 = arith.constant 91 : i32
      %broadcast_in_dim3A_120 = vector.broadcast %broadcast_in_dim3A_119 : i32 to vector<16xi32>
      %ge3A_121 = arith.cmpi sge, %abs3A, %broadcast_in_dim3A_120 : vector<16xi32>
      %broadcast_in_dim3A_122 = arith.constant 1 : i32
      %broadcast_in_dim3A_123 = vector.broadcast %broadcast_in_dim3A_122 : i32 to vector<16xi32>
      %broadcast_in_dim3A_124 = arith.constant 0 : i32
      %broadcast_in_dim3A_125 = vector.broadcast %broadcast_in_dim3A_124 : i32 to vector<16xi32>
      %select_n3A_126 = arith.select %ge3A_121, %broadcast_in_dim3A_123, %broadcast_in_dim3A_125 : vector<16xi1>, vector<16xi32>
      %add3A_127 = arith.addi %add3A_118, %select_n3A_126 : vector<16xi32>
      %select_n3A_128 = arith.select %lt3A_63, %abs3A, %add3A_127 : vector<16xi1>, vector<16xi32>
      %add3A_129 = arith.addi %select_n3A_60, %select_n3A_128 : vector<16xi32>
      %broadcast_in_dim3A_130 = arith.constant 16 : i32
      %broadcast_in_dim3A_131 = vector.broadcast %broadcast_in_dim3A_130 : i32 to vector<16xi32>
      %mul3A_132 = arith.muli %add3A_129, %broadcast_in_dim3A_131 : vector<16xi32>
      %add3A_133 = arith.addi %mul3A_132, %broadcast_in_dim3A : vector<16xi32>
      %gather3A = tpu.vector_load_idx %arg5[%add3A_133] : memref<512xf32, #tpu.memory_space<vmem>>[vector<16xi32>], vector<16xf32>,
      %mul3A_134 = arith.constant 16 : i32
      %mul3A_135 = arith.muli %scan3A_40, %mul3A_134 : i32
      %swap3A = arith.index_cast %mul3A_135 : i32 to index
      %swap3A_136 = tpu.vector_load %arg7[%swap3A] {strides = array<i32>} : memref<2048xf32, #tpu.memory_space<vmem>>, vector<16xf32>,
      tpu.vector_store %arg7[%swap3A], %gather3A {strides = array<i32>} : memref<2048xf32, #tpu.memory_space<vmem>>, vector<16xf32>,
      %scan3A_137 = arith.constant 0 : i32
      scf.yield %scan3A_137 : i32
    }
    %scan3A_36 = arith.constant 128 : i32
    %mul3A_37 = arith.constant 2 : i32
    %mul3A_38 = arith.muli %select_n3A, %mul3A_37 : i32
    %add3A_39 = arith.addi %mul3A_38, %select_n3A_30 : i32
    "tpu.region"() ({
      %run_scoped3A = tpu.sem_alloc : memref<!tpu.dma_semaphore, #tpu.memory_space<semaphore_mem>>
      %dma_start3A = arith.constant 0 : i32
      %dma_start3A_40 = tpu.memref_slice %arg4[%add3A_39, %dma_start3A] : memref<32x2048xf32, #tpu.memory_space<hbm>> -> memref<1x2048xf32, #tpu.memory_space<hbm>>
      %dma_start3A_41 = tpu.memref_squeeze %dma_start3A_40 : memref<1x2048xf32, #tpu.memory_space<hbm>> -> memref<2048xf32, #tpu.memory_space<hbm>>
      %dma_start3A_42 = arith.constant 0 : i32
      %dma_start3A_43 = tpu.memref_slice %arg4[%add3A_39, %dma_start3A_42] : memref<32x2048xf32, #tpu.memory_space<hbm>> -> memref<1x2048xf32, #tpu.memory_space<hbm>>
      %dma_start3A_44 = tpu.memref_squeeze %dma_start3A_43 : memref<1x2048xf32, #tpu.memory_space<hbm>> -> memref<2048xf32, #tpu.memory_space<hbm>>
      tpu.enqueue_dma source(%arg7 : memref<2048xf32, #tpu.memory_space<vmem>>) target(%dma_start3A_44 : memref<2048xf32, #tpu.memory_space<hbm>>) target_semaphore(%run_scoped3A : memref<!tpu.dma_semaphore, #tpu.memory_space<semaphore_mem>>)
      %dma_wait3A = arith.constant 0 : i32
      %dma_wait3A_45 = tpu.memref_slice %arg4[%add3A_39, %dma_wait3A] : memref<32x2048xf32, #tpu.memory_space<hbm>> -> memref<1x2048xf32, #tpu.memory_space<hbm>>
      %dma_wait3A_46 = tpu.memref_squeeze %dma_wait3A_45 : memref<1x2048xf32, #tpu.memory_space<hbm>> -> memref<2048xf32, #tpu.memory_space<hbm>>
      %dma_wait3A_47 = arith.constant 0 : i32
      %dma_wait3A_48 = tpu.memref_slice %arg4[%add3A_39, %dma_wait3A_47] : memref<32x2048xf32, #tpu.memory_space<hbm>> -> memref<1x2048xf32, #tpu.memory_space<hbm>>
      %dma_wait3A_49 = tpu.memref_squeeze %dma_wait3A_48 : memref<1x2048xf32, #tpu.memory_space<hbm>> -> memref<2048xf32, #tpu.memory_space<hbm>>
      tpu.wait_dma2 semaphore(%run_scoped3A : memref<!tpu.dma_semaphore, #tpu.memory_space<semaphore_mem>>) src(%arg7 : memref<2048xf32, #tpu.memory_space<vmem>>) dst(%dma_wait3A_49 : memref<2048xf32, #tpu.memory_space<hbm>>)
      tpu.yield
    }) : () -> ()
    return
  }
}

module attributes {stable_mosaic.version = 14 : i64} {
  func.func @_tc_expand_kernel(%arg0: i32, %arg1: memref<1x1x4096xf32, #tpu.memory_space<vmem>>, %arg2: memref<1x2048x2048xf32, #tpu.memory_space<vmem>>, %arg3: memref<128x4096xf32, #tpu.memory_space<vmem>>) attributes {dimension_semantics = [#tpu.dimension_semantics<arbitrary>], iteration_bounds = array<i64: 16>, scalar_prefetch = 0 : i64, scratch_operands = 1 : i64, tpu.core_type = #tpu.core_type<tc>, window_params = [{transform_indices = @transform_0, window_bounds = array<i64: 1, 1, 4096>}, {transform_indices = @transform_1, window_bounds = array<i64: 1, 2048, 2048>}]} {
    %get3A = arith.constant 0 : index
    %get3A_0 = arith.constant 0 : index
    %get3A_1 = arith.constant 0 : index
    %get3A_2 = vector.load %arg1[%get3A, %get3A_0, %get3A_1] : memref<1x1x4096xf32, #tpu.memory_space<vmem>>, vector<1x1x4096xf32>
    %get3A_3 = vector.shape_cast %get3A_2 : vector<1x1x4096xf32> to vector<1x4096xf32>
    %iota3A = tpu.iota {dimensions = array<i32: 0>} : vector<8x4096xi32>
    %sub3A = arith.constant 7 : i32
    %sub3A_4 = vector.broadcast %sub3A : i32 to vector<8x4096xi32>
    %sub3A_5 = arith.subi %sub3A_4, %iota3A : vector<8x4096xi32>
    %broadcast_in_dim3A = vector.shape_cast %get3A_3 : vector<1x4096xf32> to vector<1x4096xf32>
    %broadcast_in_dim3A_6 = vector.broadcast %broadcast_in_dim3A : vector<1x4096xf32> to vector<8x4096xf32>
    %roll3A = arith.constant 4095 : i32
    %roll3A_7 = tpu.dynamic_rotate %broadcast_in_dim3A_6 by %roll3A dim 1 : vector<8x4096xf32>, i32 -> vector<8x4096xf32>
    %and3A = arith.constant 1 : i32
    %and3A_8 = vector.broadcast %and3A : i32 to vector<8x4096xi32>
    %and3A_9 = arith.andi %sub3A_5, %and3A_8 : vector<8x4096xi32>
    %ne3A = arith.constant 0 : i32
    %ne3A_10 = vector.broadcast %ne3A : i32 to vector<8x4096xi32>
    %ne3A_11 = arith.cmpi ne, %and3A_9, %ne3A_10 : vector<8x4096xi32>
    %select_n3A = arith.select %ne3A_11, %roll3A_7, %broadcast_in_dim3A_6 : vector<8x4096xi1>, vector<8x4096xf32>
    %roll3A_12 = arith.constant 4094 : i32
    %roll3A_13 = tpu.dynamic_rotate %select_n3A by %roll3A_12 dim 1 : vector<8x4096xf32>, i32 -> vector<8x4096xf32>
    %and3A_14 = arith.constant 2 : i32
    %and3A_15 = vector.broadcast %and3A_14 : i32 to vector<8x4096xi32>
    %and3A_16 = arith.andi %sub3A_5, %and3A_15 : vector<8x4096xi32>
    %ne3A_17 = arith.constant 0 : i32
    %ne3A_18 = vector.broadcast %ne3A_17 : i32 to vector<8x4096xi32>
    %ne3A_19 = arith.cmpi ne, %and3A_16, %ne3A_18 : vector<8x4096xi32>
    %select_n3A_20 = arith.select %ne3A_19, %roll3A_13, %select_n3A : vector<8x4096xi1>, vector<8x4096xf32>
    %roll3A_21 = arith.constant 4092 : i32
    %roll3A_22 = tpu.dynamic_rotate %select_n3A_20 by %roll3A_21 dim 1 : vector<8x4096xf32>, i32 -> vector<8x4096xf32>
    %and3A_23 = arith.constant 4 : i32
    %and3A_24 = vector.broadcast %and3A_23 : i32 to vector<8x4096xi32>
    %and3A_25 = arith.andi %sub3A_5, %and3A_24 : vector<8x4096xi32>
    %ne3A_26 = arith.constant 0 : i32
    %ne3A_27 = vector.broadcast %ne3A_26 : i32 to vector<8x4096xi32>
    %ne3A_28 = arith.cmpi ne, %and3A_25, %ne3A_27 : vector<8x4096xi32>
    %select_n3A_29 = arith.select %ne3A_28, %roll3A_22, %select_n3A_20 : vector<8x4096xi1>, vector<8x4096xf32>
    %roll3A_30 = arith.constant 3976 : i32
    %roll3A_31 = tpu.dynamic_rotate %select_n3A_29 by %roll3A_30 dim 1 : vector<8x4096xf32>, i32 -> vector<8x4096xf32>
    %swap3A = arith.constant 0 : index
    %swap3A_32 = arith.constant 0 : index
    %swap3A_33 = vector.load %arg3[%swap3A, %swap3A_32] : memref<128x4096xf32, #tpu.memory_space<vmem>>, vector<8x4096xf32>
    tpu.vector_store %arg3[%swap3A, %swap3A_32], %roll3A_31 {strides = array<i32>} : memref<128x4096xf32, #tpu.memory_space<vmem>>, vector<8x4096xf32>,
    %roll3A_34 = arith.constant 3984 : i32
    %roll3A_35 = tpu.dynamic_rotate %select_n3A_29 by %roll3A_34 dim 1 : vector<8x4096xf32>, i32 -> vector<8x4096xf32>
    %swap3A_36 = arith.constant 8 : index
    %swap3A_37 = arith.constant 0 : index
    %swap3A_38 = vector.load %arg3[%swap3A_36, %swap3A_37] : memref<128x4096xf32, #tpu.memory_space<vmem>>, vector<8x4096xf32>
    tpu.vector_store %arg3[%swap3A_36, %swap3A_37], %roll3A_35 {strides = array<i32>} : memref<128x4096xf32, #tpu.memory_space<vmem>>, vector<8x4096xf32>,
    %roll3A_39 = arith.constant 3992 : i32
    %roll3A_40 = tpu.dynamic_rotate %select_n3A_29 by %roll3A_39 dim 1 : vector<8x4096xf32>, i32 -> vector<8x4096xf32>
    %swap3A_41 = arith.constant 16 : index
    %swap3A_42 = arith.constant 0 : index
    %swap3A_43 = vector.load %arg3[%swap3A_41, %swap3A_42] : memref<128x4096xf32, #tpu.memory_space<vmem>>, vector<8x4096xf32>
    tpu.vector_store %arg3[%swap3A_41, %swap3A_42], %roll3A_40 {strides = array<i32>} : memref<128x4096xf32, #tpu.memory_space<vmem>>, vector<8x4096xf32>,
    %roll3A_44 = arith.constant 4000 : i32
    %roll3A_45 = tpu.dynamic_rotate %select_n3A_29 by %roll3A_44 dim 1 : vector<8x4096xf32>, i32 -> vector<8x4096xf32>
    %swap3A_46 = arith.constant 24 : index
    %swap3A_47 = arith.constant 0 : index
    %swap3A_48 = vector.load %arg3[%swap3A_46, %swap3A_47] : memref<128x4096xf32, #tpu.memory_space<vmem>>, vector<8x4096xf32>
    tpu.vector_store %arg3[%swap3A_46, %swap3A_47], %roll3A_45 {strides = array<i32>} : memref<128x4096xf32, #tpu.memory_space<vmem>>, vector<8x4096xf32>,
    %roll3A_49 = arith.constant 4008 : i32
    %roll3A_50 = tpu.dynamic_rotate %select_n3A_29 by %roll3A_49 dim 1 : vector<8x4096xf32>, i32 -> vector<8x4096xf32>
    %swap3A_51 = arith.constant 32 : index
    %swap3A_52 = arith.constant 0 : index
    %swap3A_53 = vector.load %arg3[%swap3A_51, %swap3A_52] : memref<128x4096xf32, #tpu.memory_space<vmem>>, vector<8x4096xf32>
    tpu.vector_store %arg3[%swap3A_51, %swap3A_52], %roll3A_50 {strides = array<i32>} : memref<128x4096xf32, #tpu.memory_space<vmem>>, vector<8x4096xf32>,
    %roll3A_54 = arith.constant 4016 : i32
    %roll3A_55 = tpu.dynamic_rotate %select_n3A_29 by %roll3A_54 dim 1 : vector<8x4096xf32>, i32 -> vector<8x4096xf32>
    %swap3A_56 = arith.constant 40 : index
    %swap3A_57 = arith.constant 0 : index
    %swap3A_58 = vector.load %arg3[%swap3A_56, %swap3A_57] : memref<128x4096xf32, #tpu.memory_space<vmem>>, vector<8x4096xf32>
    tpu.vector_store %arg3[%swap3A_56, %swap3A_57], %roll3A_55 {strides = array<i32>} : memref<128x4096xf32, #tpu.memory_space<vmem>>, vector<8x4096xf32>,
    %roll3A_59 = arith.constant 4024 : i32
    %roll3A_60 = tpu.dynamic_rotate %select_n3A_29 by %roll3A_59 dim 1 : vector<8x4096xf32>, i32 -> vector<8x4096xf32>
    %swap3A_61 = arith.constant 48 : index
    %swap3A_62 = arith.constant 0 : index
    %swap3A_63 = vector.load %arg3[%swap3A_61, %swap3A_62] : memref<128x4096xf32, #tpu.memory_space<vmem>>, vector<8x4096xf32>
    tpu.vector_store %arg3[%swap3A_61, %swap3A_62], %roll3A_60 {strides = array<i32>} : memref<128x4096xf32, #tpu.memory_space<vmem>>, vector<8x4096xf32>,
    %roll3A_64 = arith.constant 4032 : i32
    %roll3A_65 = tpu.dynamic_rotate %select_n3A_29 by %roll3A_64 dim 1 : vector<8x4096xf32>, i32 -> vector<8x4096xf32>
    %swap3A_66 = arith.constant 56 : index
    %swap3A_67 = arith.constant 0 : index
    %swap3A_68 = vector.load %arg3[%swap3A_66, %swap3A_67] : memref<128x4096xf32, #tpu.memory_space<vmem>>, vector<8x4096xf32>
    tpu.vector_store %arg3[%swap3A_66, %swap3A_67], %roll3A_65 {strides = array<i32>} : memref<128x4096xf32, #tpu.memory_space<vmem>>, vector<8x4096xf32>,
    %roll3A_69 = arith.constant 4040 : i32
    %roll3A_70 = tpu.dynamic_rotate %select_n3A_29 by %roll3A_69 dim 1 : vector<8x4096xf32>, i32 -> vector<8x4096xf32>
    %swap3A_71 = arith.constant 64 : index
    %swap3A_72 = arith.constant 0 : index
    %swap3A_73 = vector.load %arg3[%swap3A_71, %swap3A_72] : memref<128x4096xf32, #tpu.memory_space<vmem>>, vector<8x4096xf32>
    tpu.vector_store %arg3[%swap3A_71, %swap3A_72], %roll3A_70 {strides = array<i32>} : memref<128x4096xf32, #tpu.memory_space<vmem>>, vector<8x4096xf32>,
    %roll3A_74 = arith.constant 4048 : i32
    %roll3A_75 = tpu.dynamic_rotate %select_n3A_29 by %roll3A_74 dim 1 : vector<8x4096xf32>, i32 -> vector<8x4096xf32>
    %swap3A_76 = arith.constant 72 : index
    %swap3A_77 = arith.constant 0 : index
    %swap3A_78 = vector.load %arg3[%swap3A_76, %swap3A_77] : memref<128x4096xf32, #tpu.memory_space<vmem>>, vector<8x4096xf32>
    tpu.vector_store %arg3[%swap3A_76, %swap3A_77], %roll3A_75 {strides = array<i32>} : memref<128x4096xf32, #tpu.memory_space<vmem>>, vector<8x4096xf32>,
    %roll3A_79 = arith.constant 4056 : i32
    %roll3A_80 = tpu.dynamic_rotate %select_n3A_29 by %roll3A_79 dim 1 : vector<8x4096xf32>, i32 -> vector<8x4096xf32>
    %swap3A_81 = arith.constant 80 : index
    %swap3A_82 = arith.constant 0 : index
    %swap3A_83 = vector.load %arg3[%swap3A_81, %swap3A_82] : memref<128x4096xf32, #tpu.memory_space<vmem>>, vector<8x4096xf32>
    tpu.vector_store %arg3[%swap3A_81, %swap3A_82], %roll3A_80 {strides = array<i32>} : memref<128x4096xf32, #tpu.memory_space<vmem>>, vector<8x4096xf32>,
    %roll3A_84 = arith.constant 4064 : i32
    %roll3A_85 = tpu.dynamic_rotate %select_n3A_29 by %roll3A_84 dim 1 : vector<8x4096xf32>, i32 -> vector<8x4096xf32>
    %swap3A_86 = arith.constant 88 : index
    %swap3A_87 = arith.constant 0 : index
    %swap3A_88 = vector.load %arg3[%swap3A_86, %swap3A_87] : memref<128x4096xf32, #tpu.memory_space<vmem>>, vector<8x4096xf32>
    tpu.vector_store %arg3[%swap3A_86, %swap3A_87], %roll3A_85 {strides = array<i32>} : memref<128x4096xf32, #tpu.memory_space<vmem>>, vector<8x4096xf32>,
    %roll3A_89 = arith.constant 4072 : i32
    %roll3A_90 = tpu.dynamic_rotate %select_n3A_29 by %roll3A_89 dim 1 : vector<8x4096xf32>, i32 -> vector<8x4096xf32>
    %swap3A_91 = arith.constant 96 : index
    %swap3A_92 = arith.constant 0 : index
    %swap3A_93 = vector.load %arg3[%swap3A_91, %swap3A_92] : memref<128x4096xf32, #tpu.memory_space<vmem>>, vector<8x4096xf32>
    tpu.vector_store %arg3[%swap3A_91, %swap3A_92], %roll3A_90 {strides = array<i32>} : memref<128x4096xf32, #tpu.memory_space<vmem>>, vector<8x4096xf32>,
    %roll3A_94 = arith.constant 4080 : i32
    %roll3A_95 = tpu.dynamic_rotate %select_n3A_29 by %roll3A_94 dim 1 : vector<8x4096xf32>, i32 -> vector<8x4096xf32>
    %swap3A_96 = arith.constant 104 : index
    %swap3A_97 = arith.constant 0 : index
    %swap3A_98 = vector.load %arg3[%swap3A_96, %swap3A_97] : memref<128x4096xf32, #tpu.memory_space<vmem>>, vector<8x4096xf32>
    tpu.vector_store %arg3[%swap3A_96, %swap3A_97], %roll3A_95 {strides = array<i32>} : memref<128x4096xf32, #tpu.memory_space<vmem>>, vector<8x4096xf32>,
    %roll3A_99 = arith.constant 4088 : i32
    %roll3A_100 = tpu.dynamic_rotate %select_n3A_29 by %roll3A_99 dim 1 : vector<8x4096xf32>, i32 -> vector<8x4096xf32>
    %swap3A_101 = arith.constant 112 : index
    %swap3A_102 = arith.constant 0 : index
    %swap3A_103 = vector.load %arg3[%swap3A_101, %swap3A_102] : memref<128x4096xf32, #tpu.memory_space<vmem>>, vector<8x4096xf32>
    tpu.vector_store %arg3[%swap3A_101, %swap3A_102], %roll3A_100 {strides = array<i32>} : memref<128x4096xf32, #tpu.memory_space<vmem>>, vector<8x4096xf32>,
    %roll3A_104 = arith.constant 0 : i32
    %roll3A_105 = tpu.dynamic_rotate %select_n3A_29 by %roll3A_104 dim 1 : vector<8x4096xf32>, i32 -> vector<8x4096xf32>
    %swap3A_106 = arith.constant 120 : index
    %swap3A_107 = arith.constant 0 : index
    %swap3A_108 = vector.load %arg3[%swap3A_106, %swap3A_107] : memref<128x4096xf32, #tpu.memory_space<vmem>>, vector<8x4096xf32>
    tpu.vector_store %arg3[%swap3A_106, %swap3A_107], %roll3A_105 {strides = array<i32>} : memref<128x4096xf32, #tpu.memory_space<vmem>>, vector<8x4096xf32>,
    %get3A_109 = arith.constant 0 : index
    %get3A_110 = arith.constant 1920 : index
    %get3A_111 = vector.load %arg3[%get3A_109, %get3A_110] : memref<128x4096xf32, #tpu.memory_space<vmem>>, vector<128x2048xf32>
    %swap3A_112 = arith.constant 0 : index
    %swap3A_113 = arith.constant 0 : index
    %swap3A_114 = arith.constant 0 : index
    %swap3A_115 = vector.load %arg2[%swap3A_112, %swap3A_113, %swap3A_114] : memref<1x2048x2048xf32, #tpu.memory_space<vmem>>, vector<1x128x2048xf32>
    %swap3A_116 = vector.shape_cast %swap3A_115 : vector<1x128x2048xf32> to vector<128x2048xf32>
    %swap3A_117 = vector.shape_cast %get3A_111 : vector<128x2048xf32> to vector<1x128x2048xf32>
    tpu.vector_store %arg2[%swap3A_112, %swap3A_113, %swap3A_114], %swap3A_117 {strides = array<i32>} : memref<1x2048x2048xf32, #tpu.memory_space<vmem>>, vector<1x128x2048xf32>,
    %get3A_118 = arith.constant 0 : index
    %get3A_119 = arith.constant 1792 : index
    %get3A_120 = vector.load %arg3[%get3A_118, %get3A_119] : memref<128x4096xf32, #tpu.memory_space<vmem>>, vector<128x2048xf32>
    %swap3A_121 = arith.constant 0 : index
    %swap3A_122 = arith.constant 128 : index
    %swap3A_123 = arith.constant 0 : index
    %swap3A_124 = vector.load %arg2[%swap3A_121, %swap3A_122, %swap3A_123] : memref<1x2048x2048xf32, #tpu.memory_space<vmem>>, vector<1x128x2048xf32>
    %swap3A_125 = vector.shape_cast %swap3A_124 : vector<1x128x2048xf32> to vector<128x2048xf32>
    %swap3A_126 = vector.shape_cast %get3A_120 : vector<128x2048xf32> to vector<1x128x2048xf32>
    tpu.vector_store %arg2[%swap3A_121, %swap3A_122, %swap3A_123], %swap3A_126 {strides = array<i32>} : memref<1x2048x2048xf32, #tpu.memory_space<vmem>>, vector<1x128x2048xf32>,
    %get3A_127 = arith.constant 0 : index
    %get3A_128 = arith.constant 1664 : index
    %get3A_129 = vector.load %arg3[%get3A_127, %get3A_128] : memref<128x4096xf32, #tpu.memory_space<vmem>>, vector<128x2048xf32>
    %swap3A_130 = arith.constant 0 : index
    %swap3A_131 = arith.constant 256 : index
    %swap3A_132 = arith.constant 0 : index
    %swap3A_133 = vector.load %arg2[%swap3A_130, %swap3A_131, %swap3A_132] : memref<1x2048x2048xf32, #tpu.memory_space<vmem>>, vector<1x128x2048xf32>
    %swap3A_134 = vector.shape_cast %swap3A_133 : vector<1x128x2048xf32> to vector<128x2048xf32>
    %swap3A_135 = vector.shape_cast %get3A_129 : vector<128x2048xf32> to vector<1x128x2048xf32>
    tpu.vector_store %arg2[%swap3A_130, %swap3A_131, %swap3A_132], %swap3A_135 {strides = array<i32>} : memref<1x2048x2048xf32, #tpu.memory_space<vmem>>, vector<1x128x2048xf32>,
    %get3A_136 = arith.constant 0 : index
    %get3A_137 = arith.constant 1536 : index
    %get3A_138 = vector.load %arg3[%get3A_136, %get3A_137] : memref<128x4096xf32, #tpu.memory_space<vmem>>, vector<128x2048xf32>
    %swap3A_139 = arith.constant 0 : index
    %swap3A_140 = arith.constant 384 : index
    %swap3A_141 = arith.constant 0 : index
    %swap3A_142 = vector.load %arg2[%swap3A_139, %swap3A_140, %swap3A_141] : memref<1x2048x2048xf32, #tpu.memory_space<vmem>>, vector<1x128x2048xf32>
    %swap3A_143 = vector.shape_cast %swap3A_142 : vector<1x128x2048xf32> to vector<128x2048xf32>
    %swap3A_144 = vector.shape_cast %get3A_138 : vector<128x2048xf32> to vector<1x128x2048xf32>
    tpu.vector_store %arg2[%swap3A_139, %swap3A_140, %swap3A_141], %swap3A_144 {strides = array<i32>} : memref<1x2048x2048xf32, #tpu.memory_space<vmem>>, vector<1x128x2048xf32>,
    %get3A_145 = arith.constant 0 : index
    %get3A_146 = arith.constant 1408 : index
    %get3A_147 = vector.load %arg3[%get3A_145, %get3A_146] : memref<128x4096xf32, #tpu.memory_space<vmem>>, vector<128x2048xf32>
    %swap3A_148 = arith.constant 0 : index
    %swap3A_149 = arith.constant 512 : index
    %swap3A_150 = arith.constant 0 : index
    %swap3A_151 = vector.load %arg2[%swap3A_148, %swap3A_149, %swap3A_150] : memref<1x2048x2048xf32, #tpu.memory_space<vmem>>, vector<1x128x2048xf32>
    %swap3A_152 = vector.shape_cast %swap3A_151 : vector<1x128x2048xf32> to vector<128x2048xf32>
    %swap3A_153 = vector.shape_cast %get3A_147 : vector<128x2048xf32> to vector<1x128x2048xf32>
    tpu.vector_store %arg2[%swap3A_148, %swap3A_149, %swap3A_150], %swap3A_153 {strides = array<i32>} : memref<1x2048x2048xf32, #tpu.memory_space<vmem>>, vector<1x128x2048xf32>,
    %get3A_154 = arith.constant 0 : index
    %get3A_155 = arith.constant 1280 : index
    %get3A_156 = vector.load %arg3[%get3A_154, %get3A_155] : memref<128x4096xf32, #tpu.memory_space<vmem>>, vector<128x2048xf32>
    %swap3A_157 = arith.constant 0 : index
    %swap3A_158 = arith.constant 640 : index
    %swap3A_159 = arith.constant 0 : index
    %swap3A_160 = vector.load %arg2[%swap3A_157, %swap3A_158, %swap3A_159] : memref<1x2048x2048xf32, #tpu.memory_space<vmem>>, vector<1x128x2048xf32>
    %swap3A_161 = vector.shape_cast %swap3A_160 : vector<1x128x2048xf32> to vector<128x2048xf32>
    %swap3A_162 = vector.shape_cast %get3A_156 : vector<128x2048xf32> to vector<1x128x2048xf32>
    tpu.vector_store %arg2[%swap3A_157, %swap3A_158, %swap3A_159], %swap3A_162 {strides = array<i32>} : memref<1x2048x2048xf32, #tpu.memory_space<vmem>>, vector<1x128x2048xf32>,
    %get3A_163 = arith.constant 0 : index
    %get3A_164 = arith.constant 1152 : index
    %get3A_165 = vector.load %arg3[%get3A_163, %get3A_164] : memref<128x4096xf32, #tpu.memory_space<vmem>>, vector<128x2048xf32>
    %swap3A_166 = arith.constant 0 : index
    %swap3A_167 = arith.constant 768 : index
    %swap3A_168 = arith.constant 0 : index
    %swap3A_169 = vector.load %arg2[%swap3A_166, %swap3A_167, %swap3A_168] : memref<1x2048x2048xf32, #tpu.memory_space<vmem>>, vector<1x128x2048xf32>
    %swap3A_170 = vector.shape_cast %swap3A_169 : vector<1x128x2048xf32> to vector<128x2048xf32>
    %swap3A_171 = vector.shape_cast %get3A_165 : vector<128x2048xf32> to vector<1x128x2048xf32>
    tpu.vector_store %arg2[%swap3A_166, %swap3A_167, %swap3A_168], %swap3A_171 {strides = array<i32>} : memref<1x2048x2048xf32, #tpu.memory_space<vmem>>, vector<1x128x2048xf32>,
    %get3A_172 = arith.constant 0 : index
    %get3A_173 = arith.constant 1024 : index
    %get3A_174 = vector.load %arg3[%get3A_172, %get3A_173] : memref<128x4096xf32, #tpu.memory_space<vmem>>, vector<128x2048xf32>
    %swap3A_175 = arith.constant 0 : index
    %swap3A_176 = arith.constant 896 : index
    %swap3A_177 = arith.constant 0 : index
    %swap3A_178 = vector.load %arg2[%swap3A_175, %swap3A_176, %swap3A_177] : memref<1x2048x2048xf32, #tpu.memory_space<vmem>>, vector<1x128x2048xf32>
    %swap3A_179 = vector.shape_cast %swap3A_178 : vector<1x128x2048xf32> to vector<128x2048xf32>
    %swap3A_180 = vector.shape_cast %get3A_174 : vector<128x2048xf32> to vector<1x128x2048xf32>
    tpu.vector_store %arg2[%swap3A_175, %swap3A_176, %swap3A_177], %swap3A_180 {strides = array<i32>} : memref<1x2048x2048xf32, #tpu.memory_space<vmem>>, vector<1x128x2048xf32>,
    %get3A_181 = arith.constant 0 : index
    %get3A_182 = arith.constant 896 : index
    %get3A_183 = vector.load %arg3[%get3A_181, %get3A_182] : memref<128x4096xf32, #tpu.memory_space<vmem>>, vector<128x2048xf32>
    %swap3A_184 = arith.constant 0 : index
    %swap3A_185 = arith.constant 1024 : index
    %swap3A_186 = arith.constant 0 : index
    %swap3A_187 = vector.load %arg2[%swap3A_184, %swap3A_185, %swap3A_186] : memref<1x2048x2048xf32, #tpu.memory_space<vmem>>, vector<1x128x2048xf32>
    %swap3A_188 = vector.shape_cast %swap3A_187 : vector<1x128x2048xf32> to vector<128x2048xf32>
    %swap3A_189 = vector.shape_cast %get3A_183 : vector<128x2048xf32> to vector<1x128x2048xf32>
    tpu.vector_store %arg2[%swap3A_184, %swap3A_185, %swap3A_186], %swap3A_189 {strides = array<i32>} : memref<1x2048x2048xf32, #tpu.memory_space<vmem>>, vector<1x128x2048xf32>,
    %get3A_190 = arith.constant 0 : index
    %get3A_191 = arith.constant 768 : index
    %get3A_192 = vector.load %arg3[%get3A_190, %get3A_191] : memref<128x4096xf32, #tpu.memory_space<vmem>>, vector<128x2048xf32>
    %swap3A_193 = arith.constant 0 : index
    %swap3A_194 = arith.constant 1152 : index
    %swap3A_195 = arith.constant 0 : index
    %swap3A_196 = vector.load %arg2[%swap3A_193, %swap3A_194, %swap3A_195] : memref<1x2048x2048xf32, #tpu.memory_space<vmem>>, vector<1x128x2048xf32>
    %swap3A_197 = vector.shape_cast %swap3A_196 : vector<1x128x2048xf32> to vector<128x2048xf32>
    %swap3A_198 = vector.shape_cast %get3A_192 : vector<128x2048xf32> to vector<1x128x2048xf32>
    tpu.vector_store %arg2[%swap3A_193, %swap3A_194, %swap3A_195], %swap3A_198 {strides = array<i32>} : memref<1x2048x2048xf32, #tpu.memory_space<vmem>>, vector<1x128x2048xf32>,
    %get3A_199 = arith.constant 0 : index
    %get3A_200 = arith.constant 640 : index
    %get3A_201 = vector.load %arg3[%get3A_199, %get3A_200] : memref<128x4096xf32, #tpu.memory_space<vmem>>, vector<128x2048xf32>
    %swap3A_202 = arith.constant 0 : index
    %swap3A_203 = arith.constant 1280 : index
    %swap3A_204 = arith.constant 0 : index
    %swap3A_205 = vector.load %arg2[%swap3A_202, %swap3A_203, %swap3A_204] : memref<1x2048x2048xf32, #tpu.memory_space<vmem>>, vector<1x128x2048xf32>
    %swap3A_206 = vector.shape_cast %swap3A_205 : vector<1x128x2048xf32> to vector<128x2048xf32>
    %swap3A_207 = vector.shape_cast %get3A_201 : vector<128x2048xf32> to vector<1x128x2048xf32>
    tpu.vector_store %arg2[%swap3A_202, %swap3A_203, %swap3A_204], %swap3A_207 {strides = array<i32>} : memref<1x2048x2048xf32, #tpu.memory_space<vmem>>, vector<1x128x2048xf32>,
    %get3A_208 = arith.constant 0 : index
    %get3A_209 = arith.constant 512 : index
    %get3A_210 = vector.load %arg3[%get3A_208, %get3A_209] : memref<128x4096xf32, #tpu.memory_space<vmem>>, vector<128x2048xf32>
    %swap3A_211 = arith.constant 0 : index
    %swap3A_212 = arith.constant 1408 : index
    %swap3A_213 = arith.constant 0 : index
    %swap3A_214 = vector.load %arg2[%swap3A_211, %swap3A_212, %swap3A_213] : memref<1x2048x2048xf32, #tpu.memory_space<vmem>>, vector<1x128x2048xf32>
    %swap3A_215 = vector.shape_cast %swap3A_214 : vector<1x128x2048xf32> to vector<128x2048xf32>
    %swap3A_216 = vector.shape_cast %get3A_210 : vector<128x2048xf32> to vector<1x128x2048xf32>
    tpu.vector_store %arg2[%swap3A_211, %swap3A_212, %swap3A_213], %swap3A_216 {strides = array<i32>} : memref<1x2048x2048xf32, #tpu.memory_space<vmem>>, vector<1x128x2048xf32>,
    %get3A_217 = arith.constant 0 : index
    %get3A_218 = arith.constant 384 : index
    %get3A_219 = vector.load %arg3[%get3A_217, %get3A_218] : memref<128x4096xf32, #tpu.memory_space<vmem>>, vector<128x2048xf32>
    %swap3A_220 = arith.constant 0 : index
    %swap3A_221 = arith.constant 1536 : index
    %swap3A_222 = arith.constant 0 : index
    %swap3A_223 = vector.load %arg2[%swap3A_220, %swap3A_221, %swap3A_222] : memref<1x2048x2048xf32, #tpu.memory_space<vmem>>, vector<1x128x2048xf32>
    %swap3A_224 = vector.shape_cast %swap3A_223 : vector<1x128x2048xf32> to vector<128x2048xf32>
    %swap3A_225 = vector.shape_cast %get3A_219 : vector<128x2048xf32> to vector<1x128x2048xf32>
    tpu.vector_store %arg2[%swap3A_220, %swap3A_221, %swap3A_222], %swap3A_225 {strides = array<i32>} : memref<1x2048x2048xf32, #tpu.memory_space<vmem>>, vector<1x128x2048xf32>,
    %get3A_226 = arith.constant 0 : index
    %get3A_227 = arith.constant 256 : index
    %get3A_228 = vector.load %arg3[%get3A_226, %get3A_227] : memref<128x4096xf32, #tpu.memory_space<vmem>>, vector<128x2048xf32>
    %swap3A_229 = arith.constant 0 : index
    %swap3A_230 = arith.constant 1664 : index
    %swap3A_231 = arith.constant 0 : index
    %swap3A_232 = vector.load %arg2[%swap3A_229, %swap3A_230, %swap3A_231] : memref<1x2048x2048xf32, #tpu.memory_space<vmem>>, vector<1x128x2048xf32>
    %swap3A_233 = vector.shape_cast %swap3A_232 : vector<1x128x2048xf32> to vector<128x2048xf32>
    %swap3A_234 = vector.shape_cast %get3A_228 : vector<128x2048xf32> to vector<1x128x2048xf32>
    tpu.vector_store %arg2[%swap3A_229, %swap3A_230, %swap3A_231], %swap3A_234 {strides = array<i32>} : memref<1x2048x2048xf32, #tpu.memory_space<vmem>>, vector<1x128x2048xf32>,
    %get3A_235 = arith.constant 0 : index
    %get3A_236 = arith.constant 128 : index
    %get3A_237 = vector.load %arg3[%get3A_235, %get3A_236] : memref<128x4096xf32, #tpu.memory_space<vmem>>, vector<128x2048xf32>
    %swap3A_238 = arith.constant 0 : index
    %swap3A_239 = arith.constant 1792 : index
    %swap3A_240 = arith.constant 0 : index
    %swap3A_241 = vector.load %arg2[%swap3A_238, %swap3A_239, %swap3A_240] : memref<1x2048x2048xf32, #tpu.memory_space<vmem>>, vector<1x128x2048xf32>
    %swap3A_242 = vector.shape_cast %swap3A_241 : vector<1x128x2048xf32> to vector<128x2048xf32>
    %swap3A_243 = vector.shape_cast %get3A_237 : vector<128x2048xf32> to vector<1x128x2048xf32>
    tpu.vector_store %arg2[%swap3A_238, %swap3A_239, %swap3A_240], %swap3A_243 {strides = array<i32>} : memref<1x2048x2048xf32, #tpu.memory_space<vmem>>, vector<1x128x2048xf32>,
    %get3A_244 = arith.constant 0 : index
    %get3A_245 = arith.constant 0 : index
    %get3A_246 = vector.load %arg3[%get3A_244, %get3A_245] : memref<128x4096xf32, #tpu.memory_space<vmem>>, vector<128x2048xf32>
    %swap3A_247 = arith.constant 0 : index
    %swap3A_248 = arith.constant 1920 : index
    %swap3A_249 = arith.constant 0 : index
    %swap3A_250 = vector.load %arg2[%swap3A_247, %swap3A_248, %swap3A_249] : memref<1x2048x2048xf32, #tpu.memory_space<vmem>>, vector<1x128x2048xf32>
    %swap3A_251 = vector.shape_cast %swap3A_250 : vector<1x128x2048xf32> to vector<128x2048xf32>
    %swap3A_252 = vector.shape_cast %get3A_246 : vector<128x2048xf32> to vector<1x128x2048xf32>
    tpu.vector_store %arg2[%swap3A_247, %swap3A_248, %swap3A_249], %swap3A_252 {strides = array<i32>} : memref<1x2048x2048xf32, #tpu.memory_space<vmem>>, vector<1x128x2048xf32>,
    return
  }
  func.func @transform_0(%arg0: i32) -> (i32, i32, i32) {
    %c0_i32 = arith.constant 0 : i32
    %c0_i32_0 = arith.constant 0 : i32
    %c0_i32_1 = arith.constant 0 : i32
    return %arg0, %c0_i32, %c0_i32_0 : i32, i32, i32
  }
  func.func @transform_1(%arg0: i32) -> (i32, i32, i32) {
    %c0_i32 = arith.constant 0 : i32
    %c0_i32_0 = arith.constant 0 : i32
    %c0_i32_1 = arith.constant 0 : i32
    return %arg0, %c0_i32, %c0_i32_0 : i32, i32, i32
  }
}

</mosaic_0001>

<sc_bundles>
// kernel: kernel.4.cloned.1.call-start
scs
__scs_entry_jumppad:
0x0: {  	(pc) =	sbr.rel $0x88, $3  }
0x1: {  	(tag) =	ssettag $0x0;
	lr =	simm.s32 $0x1  }
0x2: {  	[smem:$0x3F9E] =	sst lr;
	_ =	strace $0xD0000000  }
0x3: {  	_ = 	snop  }
0x4: {  	_ = 	snop  }
0x5: {  	_ = 	snop  }
0x6: {  	_ = 	snop  }
0x7: {  	_ = 	snop  }
__scs_overlays_trampoline_lowered:
0x8: {  	[smem:$0x3FAD] =	sst s0  }
0x9: {  	[smem:$0x3FAE] =	sst s1  }
0xa: {  	[smem:$0x3FAF] =	sst s2  }
0xb: {  	[smem:$0x3FB0] =	sst s3  }
0xc: {  	[smem:$0x3FB1] =	sst s4  }
0xd: {  	[smem:$0x3FB2] =	sst s5  }
0xe: {  	[smem:$0x3FB3] =	sst s6  }
0xf: {  	[smem:$0x3FB4] =	sst s7  }
0x10: {  	[smem:$0x3FB5] =	sst s8  }
0x11: {  	[smem:$0x3FB6] =	sst s9;
	s0 =	simm.s32 @!p0 $0x0  }
0x12: {  	s1 =	sld [smem:$0x3F9C];
	s0 =	simm.s32 @p0 $0x1  }
0x13: {  	[smem:$0x3FB7] =	sst s0;
	s0 =	simm.s32 @!p1 $0x0  }
0x14: {  	s2 =	sld [smem:$0x3F9B];
	s0 =	simm.s32 @p1 $0x1  }
0x15: {  	[smem:$0x3FB8] =	sst s0;
	s0 =	simm.s32 @!p2 $0x0  }
0x16: {  	s3 =	sld [smem:$0x3FDB];
	s0 =	simm.s32 @p2 $0x1  }
0x17: {  	s4 =	simm.s32 $0x1BF5;
	[smem:$0x3FBA] =	sst s0  }
0x18: {  	s0 =	sld [smem:$0x3F9D];
	_ =	swait.ge [sflag:s4], $0x0  }
0x19: {  	s7 =	sld [smem:$0x3F9E]  }
0x1a: {  	s8 =	sadd.s32 $0xFFFFE003, lr  }
0x1b: {  	s9 =	sadd.s32 $0xFFFFFEF7, lr;
	s5 =	simm.s32 $0xFFFFFFFF;
	p2 =	slt.u32 s8, $0xFFFFF086  }
0x1c: {  	p1 =	slt.u32 s9, $0xF7A;
	s5 =	simm.s32 @!p2 $0x0  }
0x1d: {  	s5 =	simm.s32 @p1 $0x1;
	p0 =	seq.s32 s7, s2  }
0x1e: {  	s7 =	smul.u32 @!p0 $0xF7A, s2;
	p2 =	seq.s32 @!p0 s5, $0x0  }
0x1f: {  	s9 =	smul.u32 $0xF7A, s1;
	s8 =	simm.s32 @!p0 $0x1BF5;
	p2 =	por !p2, p0  }
0x20: {  	[sflag:s8] =	ssyncset.s32 @!p0 $0xFFFFF086;
	s6 =	sadd.s32 @!p0 s3, s7;
	s7 =	simm.s32 @!p0 $0x108  }
0x21: {  	s3 =	sadd.s32 s3, s9;
	s6 =	sadd.s32 @!p0 $0x88, s6;
	s7 =	simm.s32 @p2 $0x1082  }
0x22: {  	[simem:s7], [sflag:s8] =	dma.local @!p0 [hbm:s6], $0xF7A  }
0x23: {  	s9 =	sor.u32 $0xD0000000, s2;
	s6 =	simm.s32 $0x108;
	_ =	swait.ge @!p0 [sflag:s8], $0x0  }
0x24: {  	s3 =	sadd.s32 $0x88, s3;
	s6 =	simm.s32 @!p1 $0x1082;
	[sflag:s4] =	ssyncset.s32 $0xFFFFF086  }
0x25: {  	[simem:s6], [sflag:s4] =	dma.local [hbm:s3], $0xF7A  }
0x26: {  	[smem:$0x3F9E] =	sst s1;
	(tag) =	ssettag s2;
	_ =	strace s9  }
0x27: {  	s1 =	sld [smem:$0x3FAE]  }
0x28: {  	s2 =	sld [smem:$0x3FAF]  }
0x29: {  	s4 =	sld [smem:$0x3FB1]  }
0x2a: {  	p0 =	seq.s32 s5, $0x0;
	s5 =	sld [smem:$0x3FB2]  }
0x2b: {  	s6 =	sld [smem:$0x3FB3]  }
0x2c: {  	s7 =	sld [smem:$0x3FB4]  }
0x2d: {  	s3 =	simm.s32 $0x108;
	s8 =	sld [smem:$0x3FB5]  }
0x2e: {  	s3 =	simm.s32 @!p0 $0x1082;
	s9 =	sld [smem:$0x3FB6]  }
0x2f: {  	lr =	sadd.s32 s0, s3;
	s0 =	sld [smem:$0x3FAD]  }
0x30: {  	s3 =	sld [smem:$0x3FB0]  }
0x31: {  	[smem:$0x3FB9] =	sst s10  }
0x32: {  	s10 =	sld [smem:$0x3FB7];
	_ =	sdelay $0x3  }
0x33: {  	p0 =	seq.s32 s10, $0x1;
	s10 =	sld [smem:$0x3FB9];
	_ =	sdelay $0x3  }
0x34: {  	[smem:$0x3FB9] =	sst s10  }
0x35: {  	s10 =	sld [smem:$0x3FB8];
	_ =	sdelay $0x3  }
0x36: {  	p1 =	seq.s32 s10, $0x1;
	s10 =	sld [smem:$0x3FB9];
	_ =	sdelay $0x3  }
0x37: {  	[smem:$0x3FB9] =	sst s10  }
0x38: {  	s10 =	sld [smem:$0x3FBA]  }
0x39: {  	_ = 	snop;
	(pc) =	sbr.ind lr, $3  }
0x3a: {  	_ = 	snop  }
0x3b: {  	_ = 	snop  }
0x3c: {  	p2 =	seq.s32 s10, $0x1;
	s10 =	sld [smem:$0x3FB9]  }
0x3d: {  	_ =	shalt  }
0x3e: {  	_ =	shalt  }
0x3f: {  	_ =	shalt  }
0x40: {  	_ =	shalt  }
0x41: {  	_ =	shalt  }
0x42: {  	_ =	shalt  }
0x43: {  	_ =	shalt  }
0x44: {  	_ =	shalt  }
0x45: {  	_ =	shalt  }
0x46: {  	_ =	shalt  }
0x47: {  	_ =	shalt  }
0x48: {  	_ =	shalt  }
0x49: {  	_ =	shalt  }
0x4a: {  	_ =	shalt  }
0x4b: {  	_ =	shalt  }
0x4c: {  	_ =	shalt  }
0x4d: {  	_ =	shalt  }
0x4e: {  	_ =	shalt  }
0x4f: {  	_ =	shalt  }
0x50: {  	_ =	shalt  }
0x51: {  	_ =	shalt  }
0x52: {  	_ =	shalt  }
0x53: {  	_ =	shalt  }
0x54: {  	_ =	shalt  }
0x55: {  	_ =	shalt  }
0x56: {  	_ =	shalt  }
0x57: {  	_ =	shalt  }
0x58: {  	_ =	shalt  }
0x59: {  	_ =	shalt  }
0x5a: {  	_ =	shalt  }
0x5b: {  	_ =	shalt  }
0x5c: {  	_ =	shalt  }
0x5d: {  	_ =	shalt  }
0x5e: {  	_ =	shalt  }
0x5f: {  	_ =	shalt  }
0x60: {  	_ =	shalt  }
0x61: {  	_ =	shalt  }
0x62: {  	_ =	shalt  }
0x63: {  	_ =	shalt  }
0x64: {  	_ =	shalt  }
0x65: {  	_ =	shalt  }
0x66: {  	_ =	shalt  }
0x67: {  	_ =	shalt  }
0x68: {  	_ =	shalt  }
0x69: {  	_ =	shalt  }
0x6a: {  	_ =	shalt  }
0x6b: {  	_ =	shalt  }
0x6c: {  	_ =	shalt  }
0x6d: {  	_ =	shalt  }
0x6e: {  	_ =	shalt  }
0x6f: {  	_ =	shalt  }
0x70: {  	_ =	shalt  }
0x71: {  	_ =	shalt  }
0x72: {  	_ =	shalt  }
0x73: {  	_ =	shalt  }
0x74: {  	_ =	shalt  }
0x75: {  	_ =	shalt  }
0x76: {  	_ =	shalt  }
0x77: {  	_ =	shalt  }
0x78: {  	_ =	shalt  }
0x79: {  	_ =	shalt  }
0x7a: {  	_ =	shalt  }
0x7b: {  	_ =	shalt  }
0x7c: {  	_ =	shalt  }
0x7d: {  	_ =	shalt  }
0x7e: {  	_ =	shalt  }
0x7f: {  	_ =	shalt  }
0x80: {  	_ =	shalt  }
0x81: {  	_ =	shalt  }
0x82: {  	_ =	shalt  }
0x83: {  	_ =	shalt  }
0x84: {  	_ =	shalt  }
0x85: {  	_ =	shalt  }
0x86: {  	_ =	shalt  }
0x87: {  	_ =	shalt  }
.Lfunc_end0:
.L_simem_size_0:
called_computation_lowered:
.L_overlay_start_0:
0x88: {  	s2 =	sld [smem:$0x3FD9]  }
0x89: {  	s3 =	sld [smem:$0x3FFE];
	_ =	sdelay $0x1  }
0x8a: {  	s1 =	srdreg.scid  }
0x8b: {  	s0 =	sand.u32 $0x1, s1  }
0x8c: {  	s17 =	sshll.u32 s0, $0xA;
	s2 =	sadd.s32 s3, s2  }
0x8d: {  	s2 =	sadd.s32 s2, s17  }
0x8e: {  	[smem:$0x3FC5] =	sst s2  }
0x8f: {  	_ = 	snop  }
0x90: {  	s2 =	sld [smem:$0x3FD0];
	(tm) =	ssettm $0x1  }
0x91: {  	s18 =	sld [smem:$0x3FFB];
	_ =	sdelay $0x3  }
0x92: {  	_ =	strace s18  }
0x93: {  	s3 =	sld [smem:$0x3FFC];
	_ =	sdelay $0x3  }
0x94: {  	_ =	strace s3  }
0x95: {  	s3 =	sld [smem:$0x3FFD];
	_ =	sdelay $0x3  }
0x96: {  	_ =	strace s3  }
0x97: {  	_ =	strace $0x8FFFFFFF  }
0x98: {  	s19 =	sld [smem:$0x3FDB];
	_ =	sdelay $0x1  }
0x99: {  	s4 =	simm.s32 $_scs_section_size  }
0x9a: {  	s5 =	simm.s32 $_size__tile_overlayer_lowered;
	s6 =	simm.s32 $_tile_overlayer_lowered  }
0x9b: {  	s22 =	simm.s32 $0x1BFF;
	s21 =	sshll.u32 s6, $0x1;
	s3 =	sadd.s32 s4, s19  }
0x9c: {  	s7 =	simm.s32 $0x0;
	s20 =	sshll.u32 s5, $0x1;
	s5 =	sadd.s32 s21, s3  }
0x9d: {  	[timem:s7], [sflag:s22] =	dma.local [hbm:s5], s20  }
0x9e: {  	_ =	swait.ge [sflag:s22], s20  }
0x9f: {  	s4 =	ssub.s32 $0x0, s20;
	[sflag:s22] =	ssyncset.done $0x0  }
0xa0: {  	[sflag:s22] =	ssyncadd.s32 s4;
	_ =	sdelay $0x1  }
0xa1: {  	s23 =	simm.s32 $0x1B8B  }
0xa2: {  	_ =	swait.ge [sflag:s23], $0x1  }
0xa3: {  	[sflag:s23] =	ssyncset.done $0x0  }
0xa4: {  	s25 =	simm.s32 $0x1B8E;
	s24 =	sld [smem:$0x3FFE];
	[sflag:s23] =	ssyncadd.s32 $0xFFFFFFFF  }
0xa5: {  	s26 =	simm.s32 $execute0_lowered;
	[smem:$0x3FD2] =	sst s25  }
0xa6: {  	s5 =	sshll.u32 s26, $0x1;
	_ =	strace $0x80000046;
	[dreg:$0x1] =	wrdreg $0xFFFFFFFF  }
0xa7: {  	s28 =	simm.s32 $_size_execute0_lowered;
	s3 =	sadd.s32 s3, s5;
	[dreg:$0x0] =	wrdreg $0x0  }
0xa8: {  	s5 =	sshll.u32 s28, $0x1;
	[dreg:$0x2] =	wrdreg s3  }
0xa9: {  	[dreg:$0x3] =	wrdreg s5  }
0xaa: {  	[dreg:$0x4] =	wrdreg $0xC0  }
0xab: {  	_ =	task [dreg:s7], $0x5FFFF  }
0xac: {  	[dreg:$0x1] =	wrdreg $0xFFFFFFFF  }
0xad: {  	[dreg:$0x0] =	wrdreg $0x60  }
0xae: {  	[dreg:$0x2] =	wrdreg s24  }
0xaf: {  	[dreg:$0x3] =	wrdreg s2  }
0xb0: {  	[dreg:$0x4] =	wrdreg $0x9  }
0xb1: {  	_ =	task.clear_ibuf [dreg:s7], $0x5FFFF;
	_ =	strace $0x90000046  }
0xb2: {  	s29 =	simm.s32 $0x9;
	_ =	strace $0x80000048  }
0xb3: {  	_ =	swait.ge [sflag:s29], $0x1  }
0xb4: {  	[sflag:s29] =	ssyncadd.s32 $0xFFFFFFFF  }
0xb5: {  	_ =	strace $0x90000048  }
0xb6: {  	_ =	sfence  }
0xb7: {  	s30 =	sld [smem:$0x0];
	_ =	sdelay $0x2  }
0xb8: {  	s31 =	sshll.u32 s1, $0xD;
	s1 =	sshrl.u32 s1, $0x2  }
0xb9: {  	s3 =	sand.u32 $0x4000, s31;
	s1 =	sadd.s32 s1, s30  }
0xba: {  	s0 =	sor.u32 s3, s0;
	s1 =	sshll.u32 s1, $0x11  }
0xbb: {  	s0 =	sor.u32 s1, s0  }
0xbc: {  	s0 =	sadd.s32 $0x8F2B, s0  }
0xbd: {  	[sflag:s0] =	ssyncadd.remote.s32 $0x1  }
0xbe: {  	_ =	sfence.sel $0xFFFF  }
0xbf: {  	[dreg:$0x0] =	wrdreg $0xFFFFFFFF;
	(pc) =	sbr.abs _section_cstart, $3  }
0xc0: {  	[dreg:$0x1] =	wrdreg $0xFFFFFFFF  }
0xc1: {  	_ =	task.clear_ibuf [dreg:s7], $0x2FFFF;
	_ =	strace $0x9FFFFFFF  }
0xc2: {  	(tm) =	ssettm $0x7FFFFFFF  }
0xc3: {  	_ =	shalt  }
tec
execute0_lowered:
.L_overlay_start_1:
0x0: {  	(tag) =	ssettag $0x1  }
0x1: {  	s1 =	srdreg.scid  }
0x2: {  	s0 =	stileid.u32;
	s8 =	sand.u32 $0x1, s1  }
0x3: {  	s1 =	sor.u32 s8, s0  }
0x4: {  	s4 =	rddreg [dreg:$0x0];
	p1 =	seq.s32 s8, $0x1;
	p0 =	seq.s32 s1, $0x0  }
0x5: {  	s3 =	simm.s32 $0x1;
	s6 =	rddreg [dreg:$0x1];
	p0 =	por !p0, !p1  }
0x6: {  	s2 =	simm.s32 $0x0;
	s12 =	simm.s32 $0x280;
	p0 =	por !p0, !p0  }
0x7: {  	s13 =	simm.s32 $0x0;
	[smem:$0x7FF] =	sst s2;
	s3 =	simm.s32 @!p0 $0x0  }
0x8: {  	s10 =	ssub.s32 $0x2, s8;
	s1 =	rddreg [dreg:$0x2];
	s9 =	ssub.s32 s0, s3  }
0x9: {  	_ =	strace $0x80000047;
	s11 =	sshrl.u32 s10, $0x1;
	s3 =	sshll.u32 s9, $0x1  }
0xa: {  	s10 =	ssub.s32 s10, s11;
	s11 =	simm.s32 $0x400;
	s5 =	sand.u32 $0x6, s3  }
0xb: {  	s7 =	sshll.u32 s9, $0xC;
	v0 =	vmov s9;
	s9 =	simm.s32 $0x200;
	s5 =	sor.u32 s8, s5  }
0xc: {  	s3 =	sadd.s32 $0x400, s4;
	s7 =	sand.u32 $0xFFFFC000, s7;
	s5 =	sshll.u32 s5, $0x7  }
0xd: {  	s4 =	sadd.s32 $0x600, s4;
	s8 =	sshll.u32 s8, $0xB;
	s7 =	sor.u32 s7, s5  }
0xe: {  	v1 =	vlaneseq.u32;
	s8 =	ssub.s32 $0x7FF, s8;
	s5 =	simm.s32 $0x1;
	s7 =	sshrl.u32 s7, $0x3  }
0xf: {  	v2 =	vimm.s32 $0x8;
	v3 =	vimm.s32 $0x0;
	v1 =	vmul.u32 $0xFFFFFFFF, v1;
	s6 =	sadd.s32 s6, s7;
	s7 =	smax.u32 s10, $0x1;
	s10 =	simm.s32 $0x80  }
.LBB2_1:
0x10: {  	[tilespmem:s2], [sflag:$0x1] =	stream.linear.gather [hbm4b:s3+s2], $0x200, $0x38;
	[tilespmem:$0xA80] =	vst v63  }
0x11: {  	_ =	swait.ge [sflag:s5], $0x200  }
0x12: {  	[sflag:s5] =	ssyncset.done $0x0  }
0x13: {  	[sflag:s5] =	ssyncadd.s32 $0xFFFFFE00  }
0x14: {  	[tilespmem:s9], [sflag:$0x1] =	stream.linear.gather [hbm4b:s4+s2], $0x80, $0x38;
	[tilespmem:$0xA80] =	vst v63  }
0x15: {  	_ =	swait.ge [sflag:s5], $0x80  }
0x16: {  	[sflag:s5] =	ssyncset.done $0x0  }
0x17: {  	[sflag:s5] =	ssyncadd.s32 $0xFFFFFF80  }
0x18: {  	v4 =	vld [tilespmem:$0x200];
	_ =	sdelay $0x4  }
0x19: {  	v4 =	vadd.s32 s8, v4  }
0x1a: {  	v4 =	vadd.s32 v1, v4  }
0x1b: {  	v5 =	vsub.s32 $0x0, v4  }
0x1c: {  	v5 =	vmin.u32 v4, v5  }
0x1d: {  	vm0 =	vgt.s32 v5, $0xB;
	vm1 =	vgt.s32 v5, $0xF  }
0x1e: {  	vm10 =	vgt.s32 v5, $0x16;
	v6 =	vsel vm0, $0x9, v2;
	v7 =	vsel vm1, $0x1, v3  }
0x1f: {  	vm11 =	vgt.s32 v5, $0x1F;
	v6 =	vadd.s32 v7, v6;
	v7 =	vsel vm10, $0x1, v3  }
0x20: {  	vm12 =	vgt.s32 v5, $0x2D;
	v6 =	vadd.s32 v7, v6;
	v7 =	vsel vm11, $0x1, v3  }
0x21: {  	vm13 =	vgt.s32 v5, $0x3F;
	v6 =	vadd.s32 v7, v6;
	v7 =	vsel vm12, $0x1, v3  }
0x22: {  	vm14 =	vgt.s32 v5, $0x5A;
	v6 =	vadd.s32 v7, v6;
	v7 =	vsel vm13, $0x1, v3  }
0x23: {  	v6 =	vadd.s32 v7, v6;
	v7 =	vsel vm14, $0x1, v3  }
0x24: {  	v4 =	vshrl.u32 v4, $0x1B;
	vm15 =	vlt.s32 v5, $0x8;
	v6 =	vadd.s32 v7, v6  }
0x25: {  	v4 =	vand.u32 $0x10, v4;
	v5 =	vsel vm15, v5, v6  }
0x26: {  	v4 =	vadd.s32 v4, v5  }
0x27: {  	v4 =	vshll.u32 v4, $0x4  }
0x28: {  	v4 =	vadd.s32 v0, v4;
	_ =	sdelay $0x4  }
0x29: {  	v4 =	vld.idx.msk [tilespmem:v4+s2+$0x0], $0xffff;
	_ =	sdelay $0x3  }
0x2a: {  	s14 =	simm.s32 $0x0  }
0x2b: {  	[tilespmem:s14+$0x280] =	vst v4  }
0x2c: {  	s16 =	simm.s32 $0x80;
	s15 =	smov.u32 s8;
	s14 =	simm.s32 $0x40;
	v4 =	vld [tilespmem:$0x200]  }
.LBB2_2:
0x2d: {  	p0 =	sne.s32 s16, $0x1FC0;
	_ =	sdelay $0x2  }
0x2e: {  	s15 =	sadd.s32 $0xFFFFFFF0, s15  }
0x2f: {  	v4 =	vadd.s32 s15, v4  }
0x30: {  	v4 =	vadd.s32 v1, v4  }
0x31: {  	v5 =	vsub.s32 $0x0, v4  }
0x32: {  	v5 =	vmin.u32 v4, v5  }
0x33: {  	vm0 =	vgt.s32 v5, $0xB;
	vm1 =	vgt.s32 v5, $0xF  }
0x34: {  	v6 =	vsel vm0, $0x9, v2;
	v7 =	vsel vm1, $0x1, v3;
	vm0 =	vgt.s32 v5, $0x16  }
0x35: {  	v6 =	vadd.s32 v7, v6;
	v7 =	vsel vm0, $0x1, v3;
	vm0 =	vgt.s32 v5, $0x1F  }
0x36: {  	v6 =	vadd.s32 v7, v6;
	v7 =	vsel vm0, $0x1, v3;
	vm0 =	vgt.s32 v5, $0x2D  }
0x37: {  	v6 =	vadd.s32 v7, v6;
	v7 =	vsel vm0, $0x1, v3;
	vm0 =	vgt.s32 v5, $0x3F  }
0x38: {  	v6 =	vadd.s32 v7, v6;
	v7 =	vsel vm0, $0x1, v3;
	vm0 =	vgt.s32 v5, $0x5A  }
0x39: {  	v6 =	vadd.s32 v7, v6;
	v7 =	vsel vm0, $0x1, v3  }
0x3a: {  	v4 =	vshrl.u32 v4, $0x1B;
	vm0 =	vlt.s32 v5, $0x8;
	v6 =	vadd.s32 v7, v6  }
0x3b: {  	v4 =	vand.u32 $0x10, v4;
	v5 =	vsel vm0, v5, v6  }
0x3c: {  	v4 =	vadd.s32 v4, v5  }
0x3d: {  	v4 =	vshll.u32 v4, $0x4  }
0x3e: {  	v4 =	vadd.s32 v0, v4;
	_ =	sdelay $0x4  }
0x3f: {  	v4 =	vld.idx.msk [tilespmem:v4+s2+$0x0], $0xffff;
	_ =	sdelay $0x2  }
.Ltmp0:
0x40: {  	(pc) =	sbr.rel @p0 .LBB2_2-.Ltmp0, $4  }
0x41: {  	_ = 	snop  }
0x42: {  	s17 =	sshra.s32 s14, $0x2;
	s14 =	smov.u32 s16  }
0x43: {  	[tilespmem:s17+$0x280] =	vst v4  }
0x44: {  	s16 =	sadd.s32 $0x40, s16;
	v4 =	vld [tilespmem:$0x200]  }
0x45: {  	_ =	sdelay $0x2  }
0x46: {  	s15 =	sadd.s32 $0xFFFFFFF0, s15  }
0x47: {  	v4 =	vadd.s32 s15, v4  }
0x48: {  	v4 =	vadd.s32 v1, v4  }
0x49: {  	v5 =	vsub.s32 $0x0, v4  }
0x4a: {  	v5 =	vmin.u32 v4, v5  }
0x4b: {  	vm0 =	vgt.s32 v5, $0xB;
	vm1 =	vgt.s32 v5, $0xF  }
0x4c: {  	vm10 =	vgt.s32 v5, $0x16;
	v6 =	vsel vm0, $0x9, v2;
	v7 =	vsel vm1, $0x1, v3  }
0x4d: {  	vm11 =	vgt.s32 v5, $0x1F;
	v59 =	vsel vm10, $0x1, v3;
	v6 =	vadd.s32 v7, v6  }
0x4e: {  	vm12 =	vgt.s32 v5, $0x2D;
	v60 =	vsel vm11, $0x1, v3;
	v6 =	vadd.s32 v59, v6  }
0x4f: {  	vm13 =	vgt.s32 v5, $0x3F;
	v61 =	vsel vm12, $0x1, v3;
	v6 =	vadd.s32 v60, v6  }
0x50: {  	vm14 =	vgt.s32 v5, $0x5A;
	v62 =	vsel vm13, $0x1, v3;
	v6 =	vadd.s32 v61, v6  }
0x51: {  	v63 =	vsel vm14, $0x1, v3;
	v6 =	vadd.s32 v62, v6  }
0x52: {  	v4 =	vshrl.u32 v4, $0x1B;
	vm15 =	vlt.s32 v5, $0x8;
	v6 =	vadd.s32 v63, v6  }
0x53: {  	v4 =	vand.u32 $0x10, v4;
	v5 =	vsel vm15, v5, v6  }
0x54: {  	v4 =	vadd.s32 v4, v5  }
0x55: {  	v4 =	vshll.u32 v4, $0x4  }
0x56: {  	v4 =	vadd.s32 v0, v4;
	_ =	sdelay $0x4  }
0x57: {  	v4 =	vld.idx.msk [tilespmem:v4+s2+$0x0], $0xffff;
	_ =	sdelay $0x2  }
0x58: {  	s13 =	sadd.s32 $0x1, s13  }
0x59: {  	s14 =	sshra.s32 s14, $0x2;
	p0 =	sne.s32 s13, s7  }
.Ltmp1:
0x5a: {  	[tilespmem:s14+$0x280] =	vst v4;
	(pc) =	sbr.rel @p0 .LBB2_1-.Ltmp1, $4  }
0x5b: {  	[hbm4b:s6+s10] =	stream.strided.scatter [tilespmem:s12], [sflag:$0x1], $0x800, s11, s10, $0x38;
	[tilespmem:$0xA80] =	vst v63  }
0x5c: {  	_ =	swait.ge [sflag:s5], $0x800  }
0x5d: {  	[sflag:s5] =	ssyncset.done $0x0  }
0x5e: {  	[sflag:s5] =	ssyncadd.s32 $0xFFFFF800  }
0x5f: {  	_ =	sfence.sel $0x180000  }
0x60: {  	[bflag:$0x0] =	sbarrier.arrive $0xFFFF  }
0x61: {  	p0 =	sne.s32 s0, $0x0;
	_ =	strace $0x90000047  }
0x62: {  	s0 =	sadd.s32 @!p0 $0x100000, s1;
	[bflag:$0x2] =	sbarrier.arrive $0xFFFF  }
0x63: {  	[sflag:s0] =	ssyncadd.tile.s32 @!p0 $0x1;
	_ =	shalt  }
.Lfunc_end2:
_tile_overlayer_lowered:
.L_overlay_start_2:
0x64: {  	(tag) =	ssettag $0x2  }
0x65: {  	s0 =	rddreg [dreg:$0x0];
	s2 =	stileid.u32  }
0x66: {  	s1 =	rddreg [dreg:$0x1];
	p0 =	sne.s32 s2, $0x0  }
0x67: {  	s3 =	rddreg [dreg:$0x2];
	[bflag:$0x3] =	sbarrier.arrive $0xFFFF;
	s2 =	simm.s32 @!p0 $0x1C01  }
0x68: {  	[timem:s3], [sflag:s2] =	dma.local @!p0 [hbm:s0], s1  }
0x69: {  	s0 =	simm.s32 @!p0 $0x1  }
0x6a: {  	_ =	swait.ge @!p0 [sflag:s0], s1  }
0x6b: {  	s1 =	ssub.s32 @!p0 $0x0, s1;
	[sflag:s0] =	ssyncset.done @!p0 $0x0  }
0x6c: {  	[sflag:s0] =	ssyncadd.s32 @!p0 s1  }
0x6d: {  	[bflag:$0x3] =	sbarrier.arrive $0xFFFF  }
0x6e: {  	_ =	shalt  }

</sc_bundles>
